<compile_context>
chip_gen: v7x
topology: tpu7x:2x2x1
jax: 0.10.2.dev20260603
libtpu: 0.0.44.dev20260713+nightly
codegen_flags: <defaults>
</compile_context>

<pallas_src>
import functools

import jax
import jax.numpy as jnp
from jax.experimental import pallas as pl
from jax.experimental.pallas import tpu as pltpu

R = 128
CH = 64


def _prep_body(es_ref, w_ref, u_ref, v_ref, sw_ref, uv_ref):
    sw_ref[...] = jnp.dot(es_ref[...], w_ref[...],
                          preferred_element_type=jnp.float32)
    uv_ref[...] = u_ref[...] + v_ref[...]


def _main_body(starts_ref, sidx_ref, h_ref, k_ref, es_ref, sw_ref, uv_ref,
               s_ref, g_ref, t_ref, out_ref, hk_scr, *,
               blk_rows, ents, dim, chunk):
    b = pl.program_id(0)
    h = h_ref[...]
    hk_scr[...] = h + k_ref[...]
    out_ref[...] = h
    s0 = starts_ref[b]
    s1 = starts_ref[b + 1]
    nchunks = (s1 - s0 + chunk - 1) // chunk
    uv = uv_ref[...]
    riota = jax.lax.broadcasted_iota(jnp.int32, (chunk, blk_rows), 1)

    def body(j, _):
        s = s0 + j * chunk
        sv = sidx_ref[pl.ds(s, chunk), :]
        p = (sv - b * blk_rows == riota).astype(jnp.float32)
        hg = jnp.dot(p, h_ref[...],
                     preferred_element_type=jnp.float32)
        hkg = jnp.dot(p, hk_scr[...],
                      preferred_element_type=jnp.float32)
        es_c = es_ref[pl.ds(s, chunk), :]
        es_rep = jnp.dot(es_c, t_ref[...],
                         preferred_element_type=jnp.float32)
        g = jnp.dot(hkg * es_rep, s_ref[...],
                    preferred_element_type=jnp.float32)
        gate_rep = jnp.dot(jax.nn.sigmoid(g), g_ref[...],
                           preferred_element_type=jnp.float32)
        huv = jax.lax.dot_general(
            hg.reshape(chunk, ents, dim), uv,
            (((2,), (0,)), ((), ())),
            preferred_element_type=jnp.float32)
        sw_rep = jnp.dot(sw_ref[pl.ds(s, chunk), :], t_ref[...],
                         preferred_element_type=jnp.float32)
        ht = jnp.maximum(huv.reshape(chunk, ents * dim) + sw_rep, 0.0)
        upd = gate_rep * ht
        out_ref[...] = out_ref[...] + jax.lax.dot_general(
            p, upd, (((0,), (0,)), ((), ())),
            preferred_element_type=jnp.float32)
        return 0

    jax.lax.fori_loop(0, nchunks, body, 0)

    o = out_ref[...]
    ssq = jnp.dot(o * o, s_ref[...],
                  preferred_element_type=jnp.float32)
    rs = jax.lax.rsqrt(jnp.maximum(ssq, 1e-12))
    rs_rep = jnp.dot(rs, g_ref[...],
                     preferred_element_type=jnp.float32)
    out_ref[...] = o * rs_rep


def kernel(hiddens, entity_keys, encoded_sents, U, V, W, indices):
    B, E, D = hiddens.shape
    C = encoded_sents.shape[0]
    nb = B // R
    ED = E * D

    h2 = hiddens.reshape(B, ED)
    k2 = entity_keys.reshape(B, ED)

    idx = indices.astype(jnp.int32)
    sidx, perm = jax.lax.sort_key_val(idx, jnp.arange(C, dtype=jnp.int32))
    es_sorted = jnp.take(encoded_sents, perm, axis=0)
    bounds = jnp.arange(nb + 1, dtype=jnp.int32) * R
    starts = jnp.searchsorted(sidx, bounds).astype(jnp.int32)

    Cpad = C + CH
    sidx_pad = jnp.full((Cpad, 1), B, dtype=jnp.int32)
    sidx_pad = jax.lax.dynamic_update_slice(sidx_pad, sidx[:, None], (0, 0))
    es_pad = jnp.zeros((Cpad, D), jnp.float32)
    es_pad = jax.lax.dynamic_update_slice(es_pad, es_sorted, (0, 0))

    S = jnp.repeat(jnp.eye(E, dtype=jnp.float32), D, axis=0)
    G = S.T
    T = jnp.tile(jnp.eye(D, dtype=jnp.float32), (1, E))

    sw, uv = pl.pallas_call(
        _prep_body,
        out_shape=(
            jax.ShapeDtypeStruct((Cpad, D), jnp.float32),
            jax.ShapeDtypeStruct((D, D), jnp.float32),
        ),
    )(es_pad, W, U, V)

    body = functools.partial(_main_body, blk_rows=R, ents=E, dim=D, chunk=CH)
    grid_spec = pltpu.PrefetchScalarGridSpec(
        num_scalar_prefetch=1,
        grid=(nb,),
        in_specs=[
            pl.BlockSpec((Cpad, 1), lambda b, *_: (0, 0)),
            pl.BlockSpec((R, ED), lambda b, *_: (b, 0)),
            pl.BlockSpec((R, ED), lambda b, *_: (b, 0)),
            pl.BlockSpec((Cpad, D), lambda b, *_: (0, 0)),
            pl.BlockSpec((Cpad, D), lambda b, *_: (0, 0)),
            pl.BlockSpec((D, D), lambda b, *_: (0, 0)),
            pl.BlockSpec((ED, E), lambda b, *_: (0, 0)),
            pl.BlockSpec((E, ED), lambda b, *_: (0, 0)),
            pl.BlockSpec((D, ED), lambda b, *_: (0, 0)),
        ],
        out_specs=pl.BlockSpec((R, ED), lambda b, *_: (b, 0)),
        scratch_shapes=[
            pltpu.VMEM((R, ED), jnp.float32),
        ],
    )
    out = pl.pallas_call(
        body,
        grid_spec=grid_spec,
        out_shape=jax.ShapeDtypeStruct((B, ED), jnp.float32),
        compiler_params=pltpu.CompilerParams(
            dimension_semantics=("arbitrary",)),
    )(starts, sidx_pad, h2, k2, es_pad, sw, uv, S, G, T)
    return out.reshape(B, E, D)

# --- scband reference (transcript-rebuilt; emitter-appended) ---
"""Pipeline reference for scband-static-recurrent-ent-net-22342419874073 (READ-ONLY COPY).

The authoritative reference and input builder live on the scoring server;
editing this copy changes nothing except your own understanding.
"""

import jax, jax.numpy as jnp
import numpy as np

B, E, D, C = 8192, 64, 64, 4096

def setup_inputs(seed: int = 0) -> dict:
    key = jax.random.key(seed)
    ks = jax.random.split(key, 7)
    hiddens = jax.random.normal(ks[0], (B, E, D), dtype=jnp.float32)
    entity_keys = jax.random.normal(ks[1], (B, E, D), dtype=jnp.float32)
    encoded_sents = jax.random.normal(ks[2], (C, D), dtype=jnp.float32)
    U = jax.random.normal(ks[3], (D, D), dtype=jnp.float32) * 0.05
    V = jax.random.normal(ks[4], (D, D), dtype=jnp.float32) * 0.05
    W = jax.random.normal(ks[5], (D, D), dtype=jnp.float32) * 0.05
    indices = jax.random.randint(ks[6], (C,), 0, B, dtype=jnp.int64) if jax.config.jax_enable_x64 else jax.random.randint(ks[6], (C,), 0, B, dtype=jnp.int32)
    return {"hiddens": hiddens, "entity_keys": entity_keys, "encoded_sents": encoded_sents, "U": U, "V": V, "W": W, "indices": indices}

def reference(hiddens, entity_keys, encoded_sents, U, V, W, indices):
    # One Update_entity step of StaticRecurrentEntNet (the scatter-memory core).
    Bn, En, Dn = hiddens.shape
    Cn = encoded_sents.shape[0]
    # gather current paragraph memories
    current_hiddens = jnp.take(hiddens, indices, axis=0)          # [C, E, D]
    current_keys = jnp.take(entity_keys, indices, axis=0)         # [C, E, D]
    es = encoded_sents[:, None, :]                                # [C, 1, D]
    # gate: sigmoid(sum(es*h + es*k, axis=2)) -> [C, E]
    gates = jax.nn.sigmoid(jnp.sum(es * current_hiddens + es * current_keys, axis=2))
    # h_tilda = relu(h@U + h@V + tiled(es)@W)
    flat_h = current_hiddens.reshape(-1, Dn)
    tiled_s = jnp.broadcast_to(es, (Cn, En, Dn)).reshape(-1, Dn)
    h_tilda = jax.nn.relu((flat_h @ U + flat_h @ V + tiled_s @ W).reshape(Cn, En, Dn))
    # scatter-add gated update into the full memory (tf.scatter_nd adds on duplicates)
    update = gates[:, :, None] * h_tilda                          # [C, E, D]
    new_hiddens = hiddens.at[indices].add(update)
    # tf.nn.l2_normalize along axis=2
    sq = jnp.sum(jnp.square(new_hiddens), axis=2, keepdims=True)
    new_hiddens = new_hiddens * jax.lax.rsqrt(jnp.maximum(sq, 1e-12))
    return new_hiddens

if __name__ == "__main__":
    import jax
    _d = setup_inputs()
    print(jax.jit(kernel)(*tuple(_d.values())))

</pallas_src>

<mosaic_0001>
module attributes {stable_mosaic.version = 14 : i64} {
  func.func @_prep_body(%arg0: memref<4160x64xf32, #tpu.memory_space<vmem>>, %arg1: memref<64x64xf32, #tpu.memory_space<vmem>>, %arg2: memref<64x64xf32, #tpu.memory_space<vmem>>, %arg3: memref<64x64xf32, #tpu.memory_space<vmem>>, %arg4: memref<4160x64xf32, #tpu.memory_space<vmem>>, %arg5: memref<64x64xf32, #tpu.memory_space<vmem>>) attributes {dimension_semantics = [], scalar_prefetch = 0 : i64, scratch_operands = 0 : i64, tpu.core_type = #tpu.core_type<tc>} {
    %get3A = arith.constant 0 : index
    %get3A_0 = arith.constant 0 : index
    %get3A_1 = vector.load %arg0[%get3A, %get3A_0] : memref<4160x64xf32, #tpu.memory_space<vmem>>, vector<4160x64xf32>
    %get3A_2 = arith.constant 0 : index
    %get3A_3 = arith.constant 0 : index
    %get3A_4 = vector.load %arg1[%get3A_2, %get3A_3] : memref<64x64xf32, #tpu.memory_space<vmem>>, vector<64x64xf32>
    %dot_general3A = arith.constant dense<0.000000e+00> : vector<4160x64xf32>
    %dot_general3A_5 = tpu.matmul %get3A_1, %get3A_4, %dot_general3A {dimension_numbers = #tpu.dot_dimension_numbers<[1], [0], [0], [1], [0, 0, 1, 1], [], []>, transpose_lhs_hint = false} : vector<4160x64xf32>, vector<64x64xf32>, vector<4160x64xf32> -> vector<4160x64xf32>
    %swap3A = arith.constant 0 : index
    %swap3A_6 = arith.constant 0 : index
    %swap3A_7 = vector.load %arg4[%swap3A, %swap3A_6] : memref<4160x64xf32, #tpu.memory_space<vmem>>, vector<4160x64xf32>
    tpu.vector_store %arg4[%swap3A, %swap3A_6], %dot_general3A_5 {strides = array<i32>} : memref<4160x64xf32, #tpu.memory_space<vmem>>, vector<4160x64xf32>,
    %get3A_8 = arith.constant 0 : index
    %get3A_9 = arith.constant 0 : index
    %get3A_10 = vector.load %arg2[%get3A_8, %get3A_9] : memref<64x64xf32, #tpu.memory_space<vmem>>, vector<64x64xf32>
    %get3A_11 = arith.constant 0 : index
    %get3A_12 = arith.constant 0 : index
    %get3A_13 = vector.load %arg3[%get3A_11, %get3A_12] : memref<64x64xf32, #tpu.memory_space<vmem>>, vector<64x64xf32>
    %add3A = arith.addf %get3A_10, %get3A_13 : vector<64x64xf32>
    %swap3A_14 = arith.constant 0 : index
    %swap3A_15 = arith.constant 0 : index
    %swap3A_16 = vector.load %arg5[%swap3A_14, %swap3A_15] : memref<64x64xf32, #tpu.memory_space<vmem>>, vector<64x64xf32>
    tpu.vector_store %arg5[%swap3A_14, %swap3A_15], %add3A {strides = array<i32>} : memref<64x64xf32, #tpu.memory_space<vmem>>, vector<64x64xf32>,
    return
  }
}

module attributes {stable_mosaic.version = 14 : i64} {
  func.func @_main_body(%arg0: i32, %arg1: memref<65xi32, #tpu.memory_space<smem>>, %arg2: memref<4160x1xi32, #tpu.memory_space<vmem>>, %arg3: memref<128x4096xf32, #tpu.memory_space<vmem>>, %arg4: memref<128x4096xf32, #tpu.memory_space<vmem>>, %arg5: memref<4160x64xf32, #tpu.memory_space<vmem>>, %arg6: memref<4160x64xf32, #tpu.memory_space<vmem>>, %arg7: memref<64x64xf32, #tpu.memory_space<vmem>>, %arg8: memref<4096x64xf32, #tpu.memory_space<vmem>>, %arg9: memref<64x4096xf32, #tpu.memory_space<vmem>>, %arg10: memref<64x4096xf32, #tpu.memory_space<vmem>>, %arg11: memref<128x4096xf32, #tpu.memory_space<vmem>>, %arg12: memref<128x4096xf32, #tpu.memory_space<vmem>>) attributes {dimension_semantics = [#tpu.dimension_semantics<arbitrary>], iteration_bounds = array<i64: 64>, scalar_prefetch = 1 : i64, scratch_operands = 1 : i64, tpu.core_type = #tpu.core_type<tc>, window_params = [{pipeline_mode = #tpu.pipeline_mode<synchronous>, transform_indices = @transform_0, window_bounds = array<i64: 4160, 1>}, {transform_indices = @transform_1, window_bounds = array<i64: 128, 4096>}, {transform_indices = @transform_2, window_bounds = array<i64: 128, 4096>}, {pipeline_mode = #tpu.pipeline_mode<synchronous>, transform_indices = @transform_3, window_bounds = array<i64: 4160, 64>}, {pipeline_mode = #tpu.pipeline_mode<synchronous>, transform_indices = @transform_4, window_bounds = array<i64: 4160, 64>}, {pipeline_mode = #tpu.pipeline_mode<synchronous>, transform_indices = @transform_5, window_bounds = array<i64: 64, 64>}, {pipeline_mode = #tpu.pipeline_mode<synchronous>, transform_indices = @transform_6, window_bounds = array<i64: 4096, 64>}, {pipeline_mode = #tpu.pipeline_mode<synchronous>, transform_indices = @transform_7, window_bounds = array<i64: 64, 4096>}, {pipeline_mode = #tpu.pipeline_mode<synchronous>, transform_indices = @transform_8, window_bounds = array<i64: 64, 4096>}, {transform_indices = @transform_9, window_bounds = array<i64: 128, 4096>}]} {
    %get3A = arith.constant 0 : index
    %get3A_0 = arith.constant 0 : index
    %get3A_1 = vector.load %arg3[%get3A, %get3A_0] : memref<128x4096xf32, #tpu.memory_space<vmem>>, vector<128x4096xf32>
    %get3A_2 = arith.constant 0 : index
    %get3A_3 = arith.constant 0 : index
    %get3A_4 = vector.load %arg4[%get3A_2, %get3A_3] : memref<128x4096xf32, #tpu.memory_space<vmem>>, vector<128x4096xf32>
    %add3A = arith.addf %get3A_1, %get3A_4 : vector<128x4096xf32>
    %swap3A = arith.constant 0 : index
    %swap3A_5 = arith.constant 0 : index
    %swap3A_6 = vector.load %arg12[%swap3A, %swap3A_5] : memref<128x4096xf32, #tpu.memory_space<vmem>>, vector<128x4096xf32>
    tpu.vector_store %arg12[%swap3A, %swap3A_5], %add3A {strides = array<i32>} : memref<128x4096xf32, #tpu.memory_space<vmem>>, vector<128x4096xf32>,
    %swap3A_7 = arith.constant 0 : index
    %swap3A_8 = arith.constant 0 : index
    %swap3A_9 = vector.load %arg11[%swap3A_7, %swap3A_8] : memref<128x4096xf32, #tpu.memory_space<vmem>>, vector<128x4096xf32>
    tpu.vector_store %arg11[%swap3A_7, %swap3A_8], %get3A_1 {strides = array<i32>} : memref<128x4096xf32, #tpu.memory_space<vmem>>, vector<128x4096xf32>,
    %get3A_10 = arith.index_cast %arg0 : i32 to index
    %get3A_11 = memref.load %arg1[%get3A_10] : memref<65xi32, #tpu.memory_space<smem>>
    %add3A_12 = arith.constant 1 : i32
    %add3A_13 = arith.addi %arg0, %add3A_12 : i32
    %get3A_14 = arith.index_cast %add3A_13 : i32 to index
    %get3A_15 = memref.load %arg1[%get3A_14] : memref<65xi32, #tpu.memory_space<smem>>
    %sub3A = arith.subi %get3A_15, %get3A_11 : i32
    %add3A_16 = arith.constant 64 : i32
    %add3A_17 = arith.addi %sub3A, %add3A_16 : i32
    %sub3A_18 = arith.constant 1 : i32
    %sub3A_19 = arith.subi %add3A_17, %sub3A_18 : i32
    %jit3A = arith.constant 64 : i32
    %div3A = arith.divsi %sub3A_19, %jit3A : i32
    %sign3A = arith.constant 0 : i32
    %sign3A_20 = arith.cmpi sgt, %sub3A_19, %sign3A : i32
    %sign3A_21 = arith.extui %sign3A_20 : i1 to i32
    %sign3A_22 = arith.constant 0 : i32
    %sign3A_23 = arith.cmpi slt, %sub3A_19, %sign3A_22 : i32
    %sign3A_24 = arith.extui %sign3A_23 : i1 to i32
    %sign3A_25 = arith.subi %sign3A_21, %sign3A_24 : i32
    %sign3A_26 = arith.constant 0 : i32
    %sign3A_27 = arith.cmpi sgt, %jit3A, %sign3A_26 : i32
    %sign3A_28 = arith.extui %sign3A_27 : i1 to i32
    %sign3A_29 = arith.constant 0 : i32
    %sign3A_30 = arith.cmpi slt, %jit3A, %sign3A_29 : i32
    %sign3A_31 = arith.extui %sign3A_30 : i1 to i32
    %sign3A_32 = arith.subi %sign3A_28, %sign3A_31 : i32
    %ne3A = arith.cmpi ne, %sign3A_25, %sign3A_32 : i32
    %rem3A = arith.remsi %sub3A_19, %jit3A : i32
    %ne3A_33 = arith.constant 0 : i32
    %ne3A_34 = arith.cmpi ne, %rem3A, %ne3A_33 : i32
    %and3A = arith.andi %ne3A, %ne3A_34 : i1
    %sub3A_35 = arith.constant 1 : i32
    %sub3A_36 = arith.subi %div3A, %sub3A_35 : i32
    %select_n3A = arith.select %and3A, %sub3A_36, %div3A : i32
    %get3A_37 = arith.constant 0 : index
    %get3A_38 = arith.constant 0 : index
    %get3A_39 = vector.load %arg7[%get3A_37, %get3A_38] : memref<64x64xf32, #tpu.memory_space<vmem>>, vector<64x64xf32>
    %iota3A = tpu.iota {dimensions = array<i32: 1>} : vector<64x128xi32>
    %while3A = arith.constant 0 : i32
    %while3A_40 = arith.constant 0 : i32
    %while3A_41 = arith.subi %select_n3A, %while3A : i32
    %while3A_42 = arith.addi %while3A, %while3A_41 : i32
    %while3A_43 = arith.constant 1 : i32
    %while3A_44 = arith.divsi %while3A_41, %while3A_43 : i32
    %while3A_45 = arith.muli %while3A_44, %while3A_43 : i32
    %while3A_46 = arith.addi %while3A, %while3A_45 : i32
    %while3A_47 = arith.constant 1 : i32
    %while3A_48 = scf.for %while3A_69 = %while3A to %while3A_46 step %while3A_47 iter_args(%while3A_70 = %while3A_40) -> (i32)  : i32 {
      %mul3A_71 = arith.constant 64 : i32
      %mul3A_72 = arith.muli %while3A_69, %mul3A_71 : i32
      %add3A_73 = arith.addi %get3A_11, %mul3A_72 : i32
      %get3A_74 = arith.index_cast %add3A_73 : i32 to index
      %get3A_75 = arith.constant 0 : index
      %get3A_76 = vector.load %arg2[%get3A_74, %get3A_75] : memref<4160x1xi32, #tpu.memory_space<vmem>>, vector<64x1xi32>
      %mul3A_77 = arith.constant 128 : i32
      %mul3A_78 = arith.muli %arg0, %mul3A_77 : i32
      %sub3A_79 = vector.broadcast %mul3A_78 : i32 to vector<64x1xi32>
      %sub3A_80 = arith.subi %get3A_76, %sub3A_79 : vector<64x1xi32>
      %eq3A = vector.broadcast %sub3A_80 : vector<64x1xi32> to vector<64x128xi32>
      %eq3A_81 = arith.cmpi eq, %eq3A, %iota3A : vector<64x128xi32>
      %convert_element_type3A = arith.extui %eq3A_81 : vector<64x128xi1> to vector<64x128xi32>
      %convert_element_type3A_82 = arith.sitofp %convert_element_type3A : vector<64x128xi32> to vector<64x128xf32>
      %get3A_83 = arith.constant 0 : index
      %get3A_84 = arith.constant 0 : index
      %get3A_85 = vector.load %arg3[%get3A_83, %get3A_84] : memref<128x4096xf32, #tpu.memory_space<vmem>>, vector<128x4096xf32>
      %dot_general3A_86 = arith.constant dense<0.000000e+00> : vector<64x4096xf32>
      %dot_general3A_87 = tpu.matmul %convert_element_type3A_82, %get3A_85, %dot_general3A_86 {dimension_numbers = #tpu.dot_dimension_numbers<[1], [0], [0], [1], [0, 0, 1, 1], [], []>, transpose_lhs_hint = false} : vector<64x128xf32>, vector<128x4096xf32>, vector<64x4096xf32> -> vector<64x4096xf32>
      %get3A_88 = arith.constant 0 : index
      %get3A_89 = arith.constant 0 : index
      %get3A_90 = vector.load %arg12[%get3A_88, %get3A_89] : memref<128x4096xf32, #tpu.memory_space<vmem>>, vector<128x4096xf32>
      %dot_general3A_91 = arith.constant dense<0.000000e+00> : vector<64x4096xf32>
      %dot_general3A_92 = tpu.matmul %convert_element_type3A_82, %get3A_90, %dot_general3A_91 {dimension_numbers = #tpu.dot_dimension_numbers<[1], [0], [0], [1], [0, 0, 1, 1], [], []>, transpose_lhs_hint = false} : vector<64x128xf32>, vector<128x4096xf32>, vector<64x4096xf32> -> vector<64x4096xf32>
      %get3A_93 = arith.index_cast %add3A_73 : i32 to index
      %get3A_94 = arith.constant 0 : index
      %get3A_95 = vector.load %arg5[%get3A_93, %get3A_94] : memref<4160x64xf32, #tpu.memory_space<vmem>>, vector<64x64xf32>
      %get3A_96 = arith.constant 0 : index
      %get3A_97 = arith.constant 0 : index
      %get3A_98 = vector.load %arg10[%get3A_96, %get3A_97] : memref<64x4096xf32, #tpu.memory_space<vmem>>, vector<64x4096xf32>
      %dot_general3A_99 = arith.constant dense<0.000000e+00> : vector<64x4096xf32>
      %dot_general3A_100 = tpu.matmul %get3A_95, %get3A_98, %dot_general3A_99 {dimension_numbers = #tpu.dot_dimension_numbers<[1], [0], [0], [1], [0, 0, 1, 1], [], []>, transpose_lhs_hint = false} : vector<64x64xf32>, vector<64x4096xf32>, vector<64x4096xf32> -> vector<64x4096xf32>
      %mul3A_101 = arith.mulf %dot_general3A_92, %dot_general3A_100 : vector<64x4096xf32>
      %get3A_102 = arith.constant 0 : index
      %get3A_103 = arith.constant 0 : index
      %get3A_104 = vector.load %arg8[%get3A_102, %get3A_103] : memref<4096x64xf32, #tpu.memory_space<vmem>>, vector<4096x64xf32>
      %dot_general3A_105 = arith.constant dense<0.000000e+00> : vector<64x64xf32>
      %dot_general3A_106 = tpu.matmul %mul3A_101, %get3A_104, %dot_general3A_105 {dimension_numbers = #tpu.dot_dimension_numbers<[1], [0], [0], [1], [0, 0, 1, 1], [], []>, transpose_lhs_hint = false} : vector<64x4096xf32>, vector<4096x64xf32>, vector<64x64xf32> -> vector<64x64xf32>
      %logistic3A = arith.negf %dot_general3A_106 : vector<64x64xf32>
      %logistic3A_107 = math.exp %logistic3A : vector<64x64xf32>
      %logistic3A_108 = arith.constant 1.000000e+00 : f32
      %logistic3A_109 = vector.broadcast %logistic3A_108 : f32 to vector<64x64xf32>
      %logistic3A_110 = arith.addf %logistic3A_109, %logistic3A_107 : vector<64x64xf32>
      %logistic3A_111 = arith.divf %logistic3A_109, %logistic3A_110 : vector<64x64xf32>
      %get3A_112 = arith.constant 0 : index
      %get3A_113 = arith.constant 0 : index
      %get3A_114 = vector.load %arg9[%get3A_112, %get3A_113] : memref<64x4096xf32, #tpu.memory_space<vmem>>, vector<64x4096xf32>
      %dot_general3A_115 = arith.constant dense<0.000000e+00> : vector<64x4096xf32>
      %dot_general3A_116 = tpu.matmul %logistic3A_111, %get3A_114, %dot_general3A_115 {dimension_numbers = #tpu.dot_dimension_numbers<[1], [0], [0], [1], [0, 0, 1, 1], [], []>, transpose_lhs_hint = false} : vector<64x64xf32>, vector<64x4096xf32>, vector<64x4096xf32> -> vector<64x4096xf32>
      %reshape3A = vector.shape_cast %dot_general3A_87 : vector<64x4096xf32> to vector<64x64x64xf32>
      %dot_general3A_117 = arith.constant dense<0.000000e+00> : vector<64x64x64xf32>
      %dot_general3A_118 = tpu.matmul %reshape3A, %get3A_39, %dot_general3A_117 {dimension_numbers = #tpu.dot_dimension_numbers<[2], [0], [0, 1], [1], [0, 0, 0, 1, 1, 1], [], []>, transpose_lhs_hint = false} : vector<64x64x64xf32>, vector<64x64xf32>, vector<64x64x64xf32> -> vector<64x64x64xf32>
      %get3A_119 = arith.index_cast %add3A_73 : i32 to index
      %get3A_120 = arith.constant 0 : index
      %get3A_121 = vector.load %arg6[%get3A_119, %get3A_120] : memref<4160x64xf32, #tpu.memory_space<vmem>>, vector<64x64xf32>
      %get3A_122 = arith.constant 0 : index
      %get3A_123 = arith.constant 0 : index
      %get3A_124 = vector.load %arg10[%get3A_122, %get3A_123] : memref<64x4096xf32, #tpu.memory_space<vmem>>, vector<64x4096xf32>
      %dot_general3A_125 = arith.constant dense<0.000000e+00> : vector<64x4096xf32>
      %dot_general3A_126 = tpu.matmul %get3A_121, %get3A_124, %dot_general3A_125 {dimension_numbers = #tpu.dot_dimension_numbers<[1], [0], [0], [1], [0, 0, 1, 1], [], []>, transpose_lhs_hint = false} : vector<64x64xf32>, vector<64x4096xf32>, vector<64x4096xf32> -> vector<64x4096xf32>
      %reshape3A_127 = vector.shape_cast %dot_general3A_118 : vector<64x64x64xf32> to vector<64x4096xf32>
      %add3A_128 = arith.addf %reshape3A_127, %dot_general3A_126 : vector<64x4096xf32>
      %max3A_129 = arith.constant 0.000000e+00 : f32
      %max3A_130 = vector.broadcast %max3A_129 : f32 to vector<64x4096xf32>
      %max3A_131 = arith.maximumf %add3A_128, %max3A_130 : vector<64x4096xf32>
      %mul3A_132 = arith.mulf %dot_general3A_116, %max3A_131 : vector<64x4096xf32>
      %get3A_133 = arith.constant 0 : index
      %get3A_134 = arith.constant 0 : index
      %get3A_135 = vector.load %arg11[%get3A_133, %get3A_134] : memref<128x4096xf32, #tpu.memory_space<vmem>>, vector<128x4096xf32>
      %dot_general3A_136 = arith.constant dense<0.000000e+00> : vector<128x4096xf32>
      %dot_general3A_137 = tpu.matmul %convert_element_type3A_82, %mul3A_132, %dot_general3A_136 {dimension_numbers = #tpu.dot_dimension_numbers<[0], [0], [1], [1], [0, 1, 1, 1], [], []>, transpose_lhs_hint = false} : vector<64x128xf32>, vector<64x4096xf32>, vector<128x4096xf32> -> vector<128x4096xf32>
      %add3A_138 = arith.addf %get3A_135, %dot_general3A_137 : vector<128x4096xf32>
      %swap3A_139 = arith.constant 0 : index
      %swap3A_140 = arith.constant 0 : index
      %swap3A_141 = vector.load %arg11[%swap3A_139, %swap3A_140] : memref<128x4096xf32, #tpu.memory_space<vmem>>, vector<128x4096xf32>
      tpu.vector_store %arg11[%swap3A_139, %swap3A_140], %add3A_138 {strides = array<i32>} : memref<128x4096xf32, #tpu.memory_space<vmem>>, vector<128x4096xf32>,
      %while3A_142 = arith.constant 0 : i32
      scf.yield %while3A_142 : i32
    }
    %while3A_49 = arith.constant 1 : i32
    %while3A_50 = scf.for %while3A_69 = %while3A_46 to %while3A_42 step %while3A_49 iter_args(%while3A_70 = %while3A_48) -> (i32)  : i32 {
      %mul3A_71 = arith.constant 64 : i32
      %mul3A_72 = arith.muli %while3A_69, %mul3A_71 : i32
      %add3A_73 = arith.addi %get3A_11, %mul3A_72 : i32
      %get3A_74 = arith.index_cast %add3A_73 : i32 to index
      %get3A_75 = arith.constant 0 : index
      %get3A_76 = vector.load %arg2[%get3A_74, %get3A_75] : memref<4160x1xi32, #tpu.memory_space<vmem>>, vector<64x1xi32>
      %mul3A_77 = arith.constant 128 : i32
      %mul3A_78 = arith.muli %arg0, %mul3A_77 : i32
      %sub3A_79 = vector.broadcast %mul3A_78 : i32 to vector<64x1xi32>
      %sub3A_80 = arith.subi %get3A_76, %sub3A_79 : vector<64x1xi32>
      %eq3A = vector.broadcast %sub3A_80 : vector<64x1xi32> to vector<64x128xi32>
      %eq3A_81 = arith.cmpi eq, %eq3A, %iota3A : vector<64x128xi32>
      %convert_element_type3A = arith.extui %eq3A_81 : vector<64x128xi1> to vector<64x128xi32>
      %convert_element_type3A_82 = arith.sitofp %convert_element_type3A : vector<64x128xi32> to vector<64x128xf32>
      %get3A_83 = arith.constant 0 : index
      %get3A_84 = arith.constant 0 : index
      %get3A_85 = vector.load %arg3[%get3A_83, %get3A_84] : memref<128x4096xf32, #tpu.memory_space<vmem>>, vector<128x4096xf32>
      %dot_general3A_86 = arith.constant dense<0.000000e+00> : vector<64x4096xf32>
      %dot_general3A_87 = tpu.matmul %convert_element_type3A_82, %get3A_85, %dot_general3A_86 {dimension_numbers = #tpu.dot_dimension_numbers<[1], [0], [0], [1], [0, 0, 1, 1], [], []>, transpose_lhs_hint = false} : vector<64x128xf32>, vector<128x4096xf32>, vector<64x4096xf32> -> vector<64x4096xf32>
      %get3A_88 = arith.constant 0 : index
      %get3A_89 = arith.constant 0 : index
      %get3A_90 = vector.load %arg12[%get3A_88, %get3A_89] : memref<128x4096xf32, #tpu.memory_space<vmem>>, vector<128x4096xf32>
      %dot_general3A_91 = arith.constant dense<0.000000e+00> : vector<64x4096xf32>
      %dot_general3A_92 = tpu.matmul %convert_element_type3A_82, %get3A_90, %dot_general3A_91 {dimension_numbers = #tpu.dot_dimension_numbers<[1], [0], [0], [1], [0, 0, 1, 1], [], []>, transpose_lhs_hint = false} : vector<64x128xf32>, vector<128x4096xf32>, vector<64x4096xf32> -> vector<64x4096xf32>
      %get3A_93 = arith.index_cast %add3A_73 : i32 to index
      %get3A_94 = arith.constant 0 : index
      %get3A_95 = vector.load %arg5[%get3A_93, %get3A_94] : memref<4160x64xf32, #tpu.memory_space<vmem>>, vector<64x64xf32>
      %get3A_96 = arith.constant 0 : index
      %get3A_97 = arith.constant 0 : index
      %get3A_98 = vector.load %arg10[%get3A_96, %get3A_97] : memref<64x4096xf32, #tpu.memory_space<vmem>>, vector<64x4096xf32>
      %dot_general3A_99 = arith.constant dense<0.000000e+00> : vector<64x4096xf32>
      %dot_general3A_100 = tpu.matmul %get3A_95, %get3A_98, %dot_general3A_99 {dimension_numbers = #tpu.dot_dimension_numbers<[1], [0], [0], [1], [0, 0, 1, 1], [], []>, transpose_lhs_hint = false} : vector<64x64xf32>, vector<64x4096xf32>, vector<64x4096xf32> -> vector<64x4096xf32>
      %mul3A_101 = arith.mulf %dot_general3A_92, %dot_general3A_100 : vector<64x4096xf32>
      %get3A_102 = arith.constant 0 : index
      %get3A_103 = arith.constant 0 : index
      %get3A_104 = vector.load %arg8[%get3A_102, %get3A_103] : memref<4096x64xf32, #tpu.memory_space<vmem>>, vector<4096x64xf32>
      %dot_general3A_105 = arith.constant dense<0.000000e+00> : vector<64x64xf32>
      %dot_general3A_106 = tpu.matmul %mul3A_101, %get3A_104, %dot_general3A_105 {dimension_numbers = #tpu.dot_dimension_numbers<[1], [0], [0], [1], [0, 0, 1, 1], [], []>, transpose_lhs_hint = false} : vector<64x4096xf32>, vector<4096x64xf32>, vector<64x64xf32> -> vector<64x64xf32>
      %logistic3A = arith.negf %dot_general3A_106 : vector<64x64xf32>
      %logistic3A_107 = math.exp %logistic3A : vector<64x64xf32>
      %logistic3A_108 = arith.constant 1.000000e+00 : f32
      %logistic3A_109 = vector.broadcast %logistic3A_108 : f32 to vector<64x64xf32>
      %logistic3A_110 = arith.addf %logistic3A_109, %logistic3A_107 : vector<64x64xf32>
      %logistic3A_111 = arith.divf %logistic3A_109, %logistic3A_110 : vector<64x64xf32>
      %get3A_112 = arith.constant 0 : index
      %get3A_113 = arith.constant 0 : index
      %get3A_114 = vector.load %arg9[%get3A_112, %get3A_113] : memref<64x4096xf32, #tpu.memory_space<vmem>>, vector<64x4096xf32>
      %dot_general3A_115 = arith.constant dense<0.000000e+00> : vector<64x4096xf32>
      %dot_general3A_116 = tpu.matmul %logistic3A_111, %get3A_114, %dot_general3A_115 {dimension_numbers = #tpu.dot_dimension_numbers<[1], [0], [0], [1], [0, 0, 1, 1], [], []>, transpose_lhs_hint = false} : vector<64x64xf32>, vector<64x4096xf32>, vector<64x4096xf32> -> vector<64x4096xf32>
      %reshape3A = vector.shape_cast %dot_general3A_87 : vector<64x4096xf32> to vector<64x64x64xf32>
      %dot_general3A_117 = arith.constant dense<0.000000e+00> : vector<64x64x64xf32>
      %dot_general3A_118 = tpu.matmul %reshape3A, %get3A_39, %dot_general3A_117 {dimension_numbers = #tpu.dot_dimension_numbers<[2], [0], [0, 1], [1], [0, 0, 0, 1, 1, 1], [], []>, transpose_lhs_hint = false} : vector<64x64x64xf32>, vector<64x64xf32>, vector<64x64x64xf32> -> vector<64x64x64xf32>
      %get3A_119 = arith.index_cast %add3A_73 : i32 to index
      %get3A_120 = arith.constant 0 : index
      %get3A_121 = vector.load %arg6[%get3A_119, %get3A_120] : memref<4160x64xf32, #tpu.memory_space<vmem>>, vector<64x64xf32>
      %get3A_122 = arith.constant 0 : index
      %get3A_123 = arith.constant 0 : index
      %get3A_124 = vector.load %arg10[%get3A_122, %get3A_123] : memref<64x4096xf32, #tpu.memory_space<vmem>>, vector<64x4096xf32>
      %dot_general3A_125 = arith.constant dense<0.000000e+00> : vector<64x4096xf32>
      %dot_general3A_126 = tpu.matmul %get3A_121, %get3A_124, %dot_general3A_125 {dimension_numbers = #tpu.dot_dimension_numbers<[1], [0], [0], [1], [0, 0, 1, 1], [], []>, transpose_lhs_hint = false} : vector<64x64xf32>, vector<64x4096xf32>, vector<64x4096xf32> -> vector<64x4096xf32>
      %reshape3A_127 = vector.shape_cast %dot_general3A_118 : vector<64x64x64xf32> to vector<64x4096xf32>
      %add3A_128 = arith.addf %reshape3A_127, %dot_general3A_126 : vector<64x4096xf32>
      %max3A_129 = arith.constant 0.000000e+00 : f32
      %max3A_130 = vector.broadcast %max3A_129 : f32 to vector<64x4096xf32>
      %max3A_131 = arith.maximumf %add3A_128, %max3A_130 : vector<64x4096xf32>
      %mul3A_132 = arith.mulf %dot_general3A_116, %max3A_131 : vector<64x4096xf32>
      %get3A_133 = arith.constant 0 : index
      %get3A_134 = arith.constant 0 : index
      %get3A_135 = vector.load %arg11[%get3A_133, %get3A_134] : memref<128x4096xf32, #tpu.memory_space<vmem>>, vector<128x4096xf32>
      %dot_general3A_136 = arith.constant dense<0.000000e+00> : vector<128x4096xf32>
      %dot_general3A_137 = tpu.matmul %convert_element_type3A_82, %mul3A_132, %dot_general3A_136 {dimension_numbers = #tpu.dot_dimension_numbers<[0], [0], [1], [1], [0, 1, 1, 1], [], []>, transpose_lhs_hint = false} : vector<64x128xf32>, vector<64x4096xf32>, vector<128x4096xf32> -> vector<128x4096xf32>
      %add3A_138 = arith.addf %get3A_135, %dot_general3A_137 : vector<128x4096xf32>
      %swap3A_139 = arith.constant 0 : index
      %swap3A_140 = arith.constant 0 : index
      %swap3A_141 = vector.load %arg11[%swap3A_139, %swap3A_140] : memref<128x4096xf32, #tpu.memory_space<vmem>>, vector<128x4096xf32>
      tpu.vector_store %arg11[%swap3A_139, %swap3A_140], %add3A_138 {strides = array<i32>} : memref<128x4096xf32, #tpu.memory_space<vmem>>, vector<128x4096xf32>,
      %while3A_142 = arith.constant 0 : i32
      scf.yield %while3A_142 : i32
    }
    %get3A_51 = arith.constant 0 : index
    %get3A_52 = arith.constant 0 : index
    %get3A_53 = vector.load %arg11[%get3A_51, %get3A_52] : memref<128x4096xf32, #tpu.memory_space<vmem>>, vector<128x4096xf32>
    %mul3A = arith.mulf %get3A_53, %get3A_53 : vector<128x4096xf32>
    %get3A_54 = arith.constant 0 : index
    %get3A_55 = arith.constant 0 : index
    %get3A_56 = vector.load %arg8[%get3A_54, %get3A_55] : memref<4096x64xf32, #tpu.memory_space<vmem>>, vector<4096x64xf32>
    %dot_general3A = arith.constant dense<0.000000e+00> : vector<128x64xf32>
    %dot_general3A_57 = tpu.matmul %mul3A, %get3A_56, %dot_general3A {dimension_numbers = #tpu.dot_dimension_numbers<[1], [0], [0], [1], [0, 0, 1, 1], [], []>, transpose_lhs_hint = false} : vector<128x4096xf32>, vector<4096x64xf32>, vector<128x64xf32> -> vector<128x64xf32>
    %max3A = arith.constant 9.99999996E-13 : f32
    %max3A_58 = vector.broadcast %max3A : f32 to vector<128x64xf32>
    %max3A_59 = arith.maximumf %dot_general3A_57, %max3A_58 : vector<128x64xf32>
    %rsqrt3A = math.rsqrt %max3A_59 : vector<128x64xf32>
    %get3A_60 = arith.constant 0 : index
    %get3A_61 = arith.constant 0 : index
    %get3A_62 = vector.load %arg9[%get3A_60, %get3A_61] : memref<64x4096xf32, #tpu.memory_space<vmem>>, vector<64x4096xf32>
    %dot_general3A_63 = arith.constant dense<0.000000e+00> : vector<128x4096xf32>
    %dot_general3A_64 = tpu.matmul %rsqrt3A, %get3A_62, %dot_general3A_63 {dimension_numbers = #tpu.dot_dimension_numbers<[1], [0], [0], [1], [0, 0, 1, 1], [], []>, transpose_lhs_hint = false} : vector<128x64xf32>, vector<64x4096xf32>, vector<128x4096xf32> -> vector<128x4096xf32>
    %mul3A_65 = arith.mulf %get3A_53, %dot_general3A_64 : vector<128x4096xf32>
    %swap3A_66 = arith.constant 0 : index
    %swap3A_67 = arith.constant 0 : index
    %swap3A_68 = vector.load %arg11[%swap3A_66, %swap3A_67] : memref<128x4096xf32, #tpu.memory_space<vmem>>, vector<128x4096xf32>
    tpu.vector_store %arg11[%swap3A_66, %swap3A_67], %mul3A_65 {strides = array<i32>} : memref<128x4096xf32, #tpu.memory_space<vmem>>, vector<128x4096xf32>,
    return
  }
  func.func @transform_0(%arg0: i32, %arg1: memref<65xi32, #tpu.memory_space<smem>>) -> (i32, i32) {
    %c0_i32 = arith.constant 0 : i32
    %c0_i32_0 = arith.constant 0 : i32
    %c0_i32_1 = arith.constant 0 : i32
    return %c0_i32, %c0_i32_0 : i32, i32
  }
  func.func @transform_1(%arg0: i32, %arg1: memref<65xi32, #tpu.memory_space<smem>>) -> (i32, i32) {
    %c0_i32 = arith.constant 0 : i32
    %c0_i32_0 = arith.constant 0 : i32
    return %arg0, %c0_i32 : i32, i32
  }
  func.func @transform_2(%arg0: i32, %arg1: memref<65xi32, #tpu.memory_space<smem>>) -> (i32, i32) {
    %c0_i32 = arith.constant 0 : i32
    %c0_i32_0 = arith.constant 0 : i32
    return %arg0, %c0_i32 : i32, i32
  }
  func.func @transform_3(%arg0: i32, %arg1: memref<65xi32, #tpu.memory_space<smem>>) -> (i32, i32) {
    %c0_i32 = arith.constant 0 : i32
    %c0_i32_0 = arith.constant 0 : i32
    %c0_i32_1 = arith.constant 0 : i32
    return %c0_i32, %c0_i32_0 : i32, i32
  }
  func.func @transform_4(%arg0: i32, %arg1: memref<65xi32, #tpu.memory_space<smem>>) -> (i32, i32) {
    %c0_i32 = arith.constant 0 : i32
    %c0_i32_0 = arith.constant 0 : i32
    %c0_i32_1 = arith.constant 0 : i32
    return %c0_i32, %c0_i32_0 : i32, i32
  }
  func.func @transform_5(%arg0: i32, %arg1: memref<65xi32, #tpu.memory_space<smem>>) -> (i32, i32) {
    %c0_i32 = arith.constant 0 : i32
    %c0_i32_0 = arith.constant 0 : i32
    %c0_i32_1 = arith.constant 0 : i32
    return %c0_i32, %c0_i32_0 : i32, i32
  }
  func.func @transform_6(%arg0: i32, %arg1: memref<65xi32, #tpu.memory_space<smem>>) -> (i32, i32) {
    %c0_i32 = arith.constant 0 : i32
    %c0_i32_0 = arith.constant 0 : i32
    %c0_i32_1 = arith.constant 0 : i32
    return %c0_i32, %c0_i32_0 : i32, i32
  }
  func.func @transform_7(%arg0: i32, %arg1: memref<65xi32, #tpu.memory_space<smem>>) -> (i32, i32) {
    %c0_i32 = arith.constant 0 : i32
    %c0_i32_0 = arith.constant 0 : i32
    %c0_i32_1 = arith.constant 0 : i32
    return %c0_i32, %c0_i32_0 : i32, i32
  }
  func.func @transform_8(%arg0: i32, %arg1: memref<65xi32, #tpu.memory_space<smem>>) -> (i32, i32) {
    %c0_i32 = arith.constant 0 : i32
    %c0_i32_0 = arith.constant 0 : i32
    %c0_i32_1 = arith.constant 0 : i32
    return %c0_i32, %c0_i32_0 : i32, i32
  }
  func.func @transform_9(%arg0: i32, %arg1: memref<65xi32, #tpu.memory_space<smem>>) -> (i32, i32) {
    %c0_i32 = arith.constant 0 : i32
    %c0_i32_0 = arith.constant 0 : i32
    return %arg0, %c0_i32 : i32, i32
  }
}

</mosaic_0001>

<sc_bundles>
// kernel: gather_offload_async_start
scs
__scs_entry_jumppad:
0x0: {  	(pc) =	sbr.rel $0x88, $3  }
0x1: {  	(tag) =	ssettag $0x0;
	lr =	simm.s32 $0x1  }
0x2: {  	[smem:$0x3F9A] =	sst lr;
	_ =	strace $0xD0000000  }
0x3: {  	_ = 	snop  }
0x4: {  	_ = 	snop  }
0x5: {  	_ = 	snop  }
0x6: {  	_ = 	snop  }
0x7: {  	_ = 	snop  }
__scs_overlays_trampoline_lowered:
0x8: {  	[smem:$0x3FA9] =	sst s0  }
0x9: {  	[smem:$0x3FAA] =	sst s1  }
0xa: {  	[smem:$0x3FAB] =	sst s2  }
0xb: {  	[smem:$0x3FAC] =	sst s3  }
0xc: {  	[smem:$0x3FAD] =	sst s4  }
0xd: {  	[smem:$0x3FAE] =	sst s5  }
0xe: {  	[smem:$0x3FAF] =	sst s6  }
0xf: {  	[smem:$0x3FB0] =	sst s7  }
0x10: {  	[smem:$0x3FB1] =	sst s8  }
0x11: {  	[smem:$0x3FB2] =	sst s9;
	s0 =	simm.s32 @!p0 $0x0  }
0x12: {  	s1 =	sld [smem:$0x3F98];
	s0 =	simm.s32 @p0 $0x1  }
0x13: {  	[smem:$0x3FB3] =	sst s0;
	s0 =	simm.s32 @!p1 $0x0  }
0x14: {  	s2 =	sld [smem:$0x3F97];
	s0 =	simm.s32 @p1 $0x1  }
0x15: {  	[smem:$0x3FB4] =	sst s0;
	s0 =	simm.s32 @!p2 $0x0  }
0x16: {  	s3 =	sld [smem:$0x3FDB];
	s0 =	simm.s32 @p2 $0x1  }
0x17: {  	s4 =	simm.s32 $0x1BF5;
	[smem:$0x3FB6] =	sst s0  }
0x18: {  	s0 =	sld [smem:$0x3F99];
	_ =	swait.ge [sflag:s4], $0x0  }
0x19: {  	s7 =	sld [smem:$0x3F9A]  }
0x1a: {  	s8 =	sadd.s32 $0xFFFFE003, lr  }
0x1b: {  	s9 =	sadd.s32 $0xFFFFFEF7, lr;
	s5 =	simm.s32 $0xFFFFFFFF;
	p2 =	slt.u32 s8, $0xFFFFF086  }
0x1c: {  	p1 =	slt.u32 s9, $0xF7A;
	s5 =	simm.s32 @!p2 $0x0  }
0x1d: {  	s5 =	simm.s32 @p1 $0x1;
	p0 =	seq.s32 s7, s2  }
0x1e: {  	s7 =	smul.u32 @!p0 $0xF7A, s2;
	p2 =	seq.s32 @!p0 s5, $0x0  }
0x1f: {  	s9 =	smul.u32 $0xF7A, s1;
	s8 =	simm.s32 @!p0 $0x1BF5;
	p2 =	por !p2, p0  }
0x20: {  	[sflag:s8] =	ssyncset.s32 @!p0 $0xFFFFF086;
	s6 =	sadd.s32 @!p0 s3, s7;
	s7 =	simm.s32 @!p0 $0x108  }
0x21: {  	s3 =	sadd.s32 s3, s9;
	s6 =	sadd.s32 @!p0 $0x88, s6;
	s7 =	simm.s32 @p2 $0x1082  }
0x22: {  	[simem:s7], [sflag:s8] =	dma.local @!p0 [hbm:s6], $0xF7A  }
0x23: {  	s9 =	sor.u32 $0xD0000000, s2;
	s6 =	simm.s32 $0x108;
	_ =	swait.ge @!p0 [sflag:s8], $0x0  }
0x24: {  	s3 =	sadd.s32 $0x88, s3;
	s6 =	simm.s32 @!p1 $0x1082;
	[sflag:s4] =	ssyncset.s32 $0xFFFFF086  }
0x25: {  	[simem:s6], [sflag:s4] =	dma.local [hbm:s3], $0xF7A  }
0x26: {  	[smem:$0x3F9A] =	sst s1;
	(tag) =	ssettag s2;
	_ =	strace s9  }
0x27: {  	s1 =	sld [smem:$0x3FAA]  }
0x28: {  	s2 =	sld [smem:$0x3FAB]  }
0x29: {  	s4 =	sld [smem:$0x3FAD]  }
0x2a: {  	p0 =	seq.s32 s5, $0x0;
	s5 =	sld [smem:$0x3FAE]  }
0x2b: {  	s6 =	sld [smem:$0x3FAF]  }
0x2c: {  	s7 =	sld [smem:$0x3FB0]  }
0x2d: {  	s3 =	simm.s32 $0x108;
	s8 =	sld [smem:$0x3FB1]  }
0x2e: {  	s3 =	simm.s32 @!p0 $0x1082;
	s9 =	sld [smem:$0x3FB2]  }
0x2f: {  	lr =	sadd.s32 s0, s3;
	s0 =	sld [smem:$0x3FA9]  }
0x30: {  	s3 =	sld [smem:$0x3FAC]  }
0x31: {  	[smem:$0x3FB5] =	sst s10  }
0x32: {  	s10 =	sld [smem:$0x3FB3];
	_ =	sdelay $0x3  }
0x33: {  	p0 =	seq.s32 s10, $0x1;
	s10 =	sld [smem:$0x3FB5];
	_ =	sdelay $0x3  }
0x34: {  	[smem:$0x3FB5] =	sst s10  }
0x35: {  	s10 =	sld [smem:$0x3FB4];
	_ =	sdelay $0x3  }
0x36: {  	p1 =	seq.s32 s10, $0x1;
	s10 =	sld [smem:$0x3FB5];
	_ =	sdelay $0x3  }
0x37: {  	[smem:$0x3FB5] =	sst s10  }
0x38: {  	s10 =	sld [smem:$0x3FB6]  }
0x39: {  	_ = 	snop;
	(pc) =	sbr.ind lr, $3  }
0x3a: {  	_ = 	snop  }
0x3b: {  	_ = 	snop  }
0x3c: {  	p2 =	seq.s32 s10, $0x1;
	s10 =	sld [smem:$0x3FB5]  }
0x3d: {  	_ =	shalt  }
0x3e: {  	_ =	shalt  }
0x3f: {  	_ =	shalt  }
0x40: {  	_ =	shalt  }
0x41: {  	_ =	shalt  }
0x42: {  	_ =	shalt  }
0x43: {  	_ =	shalt  }
0x44: {  	_ =	shalt  }
0x45: {  	_ =	shalt  }
0x46: {  	_ =	shalt  }
0x47: {  	_ =	shalt  }
0x48: {  	_ =	shalt  }
0x49: {  	_ =	shalt  }
0x4a: {  	_ =	shalt  }
0x4b: {  	_ =	shalt  }
0x4c: {  	_ =	shalt  }
0x4d: {  	_ =	shalt  }
0x4e: {  	_ =	shalt  }
0x4f: {  	_ =	shalt  }
0x50: {  	_ =	shalt  }
0x51: {  	_ =	shalt  }
0x52: {  	_ =	shalt  }
0x53: {  	_ =	shalt  }
0x54: {  	_ =	shalt  }
0x55: {  	_ =	shalt  }
0x56: {  	_ =	shalt  }
0x57: {  	_ =	shalt  }
0x58: {  	_ =	shalt  }
0x59: {  	_ =	shalt  }
0x5a: {  	_ =	shalt  }
0x5b: {  	_ =	shalt  }
0x5c: {  	_ =	shalt  }
0x5d: {  	_ =	shalt  }
0x5e: {  	_ =	shalt  }
0x5f: {  	_ =	shalt  }
0x60: {  	_ =	shalt  }
0x61: {  	_ =	shalt  }
0x62: {  	_ =	shalt  }
0x63: {  	_ =	shalt  }
0x64: {  	_ =	shalt  }
0x65: {  	_ =	shalt  }
0x66: {  	_ =	shalt  }
0x67: {  	_ =	shalt  }
0x68: {  	_ =	shalt  }
0x69: {  	_ =	shalt  }
0x6a: {  	_ =	shalt  }
0x6b: {  	_ =	shalt  }
0x6c: {  	_ =	shalt  }
0x6d: {  	_ =	shalt  }
0x6e: {  	_ =	shalt  }
0x6f: {  	_ =	shalt  }
0x70: {  	_ =	shalt  }
0x71: {  	_ =	shalt  }
0x72: {  	_ =	shalt  }
0x73: {  	_ =	shalt  }
0x74: {  	_ =	shalt  }
0x75: {  	_ =	shalt  }
0x76: {  	_ =	shalt  }
0x77: {  	_ =	shalt  }
0x78: {  	_ =	shalt  }
0x79: {  	_ =	shalt  }
0x7a: {  	_ =	shalt  }
0x7b: {  	_ =	shalt  }
0x7c: {  	_ =	shalt  }
0x7d: {  	_ =	shalt  }
0x7e: {  	_ =	shalt  }
0x7f: {  	_ =	shalt  }
0x80: {  	_ =	shalt  }
0x81: {  	_ =	shalt  }
0x82: {  	_ =	shalt  }
0x83: {  	_ =	shalt  }
0x84: {  	_ =	shalt  }
0x85: {  	_ =	shalt  }
0x86: {  	_ =	shalt  }
0x87: {  	_ =	shalt  }
.Lfunc_end0:
.L_simem_size_0:
called_computation_lowered:
.L_overlay_start_0:
0x88: {  	s2 =	sld [smem:$0x3FD9]  }
0x89: {  	s3 =	sld [smem:$0x3FFE];
	_ =	sdelay $0x1  }
0x8a: {  	s1 =	srdreg.scid  }
0x8b: {  	s0 =	sand.u32 $0x1, s1  }
0x8c: {  	s16 =	sshll.u32 s0, $0xA;
	s2 =	sadd.s32 s3, s2  }
0x8d: {  	s2 =	sadd.s32 s2, s16  }
0x8e: {  	[smem:$0x3FC1] =	sst s2  }
0x8f: {  	_ = 	snop  }
0x90: {  	(tm) =	ssettm $0x1  }
0x91: {  	s17 =	sld [smem:$0x3FFB];
	_ =	sdelay $0x3  }
0x92: {  	_ =	strace s17  }
0x93: {  	s2 =	sld [smem:$0x3FFC];
	_ =	sdelay $0x3  }
0x94: {  	_ =	strace s2  }
0x95: {  	s2 =	sld [smem:$0x3FFD];
	_ =	sdelay $0x3  }
0x96: {  	_ =	strace s2  }
0x97: {  	_ =	strace $0x8FFFFFFF  }
0x98: {  	s18 =	sld [smem:$0x3FDB];
	_ =	sdelay $0x1  }
0x99: {  	s19 =	simm.s32 $_scs_section_size  }
0x9a: {  	s4 =	simm.s32 $_size__tile_overlayer_lowered;
	s5 =	simm.s32 $_tile_overlayer_lowered  }
0x9b: {  	s22 =	simm.s32 $0x1BFF;
	s21 =	sshll.u32 s5, $0x1;
	s2 =	sadd.s32 s19, s18  }
0x9c: {  	s6 =	simm.s32 $0x0;
	s20 =	sshll.u32 s4, $0x1;
	s4 =	sadd.s32 s21, s2  }
0x9d: {  	[timem:s6], [sflag:s22] =	dma.local [hbm:s4], s20  }
0x9e: {  	_ =	swait.ge [sflag:s22], s20  }
0x9f: {  	s3 =	ssub.s32 $0x0, s20;
	[sflag:s22] =	ssyncset.done $0x0  }
0xa0: {  	[sflag:s22] =	ssyncadd.s32 s3;
	_ =	sdelay $0x1  }
0xa1: {  	s23 =	simm.s32 $0x1B8B  }
0xa2: {  	_ =	swait.ge [sflag:s23], $0x1  }
0xa3: {  	[sflag:s23] =	ssyncset.done $0x0  }
0xa4: {  	s25 =	simm.s32 $0x1B8E;
	s24 =	sld [smem:$0x3FFE];
	[sflag:s23] =	ssyncadd.s32 $0xFFFFFFFF  }
0xa5: {  	s26 =	simm.s32 $execute0_lowered;
	[smem:$0x3FD2] =	sst s25  }
0xa6: {  	s4 =	sshll.u32 s26, $0x1;
	_ =	strace $0x80000046;
	[dreg:$0x1] =	wrdreg $0xFFFFFFFF  }
0xa7: {  	s28 =	simm.s32 $_size_execute0_lowered;
	s2 =	sadd.s32 s2, s4;
	[dreg:$0x0] =	wrdreg $0x0  }
0xa8: {  	s4 =	sshll.u32 s28, $0x1;
	[dreg:$0x2] =	wrdreg s2  }
0xa9: {  	[dreg:$0x3] =	wrdreg s4  }
0xaa: {  	[dreg:$0x4] =	wrdreg $0xC0  }
0xab: {  	_ =	task [dreg:s6], $0x5FFFF  }
0xac: {  	[dreg:$0x1] =	wrdreg $0xFFFFFFFF  }
0xad: {  	[dreg:$0x0] =	wrdreg $0x60  }
0xae: {  	[dreg:$0x2] =	wrdreg s24  }
0xaf: {  	[dreg:$0x3] =	wrdreg $0x9  }
0xb0: {  	_ =	task.clear_ibuf [dreg:s6], $0x4FFFF;
	_ =	strace $0x90000046  }
0xb1: {  	s29 =	simm.s32 $0x9;
	_ =	strace $0x80000048  }
0xb2: {  	_ =	swait.ge [sflag:s29], $0x1  }
0xb3: {  	[sflag:s29] =	ssyncadd.s32 $0xFFFFFFFF  }
0xb4: {  	_ =	strace $0x90000048  }
0xb5: {  	_ =	sfence  }
0xb6: {  	s30 =	sld [smem:$0x0];
	_ =	sdelay $0x2  }
0xb7: {  	s31 =	sshll.u32 s1, $0xD;
	s1 =	sshrl.u32 s1, $0x2  }
0xb8: {  	s3 =	sand.u32 $0x4000, s31;
	s1 =	sadd.s32 s1, s30  }
0xb9: {  	s0 =	sor.u32 s3, s0;
	s1 =	sshll.u32 s1, $0x11  }
0xba: {  	s0 =	sor.u32 s1, s0  }
0xbb: {  	s0 =	sadd.s32 $0x8F2B, s0  }
0xbc: {  	[sflag:s0] =	ssyncadd.remote.s32 $0x1  }
0xbd: {  	_ =	sfence.sel $0xFFFF  }
0xbe: {  	[dreg:$0x0] =	wrdreg $0xFFFFFFFF;
	(pc) =	sbr.abs _section_cstart, $3  }
0xbf: {  	[dreg:$0x1] =	wrdreg $0xFFFFFFFF  }
0xc0: {  	_ =	task.clear_ibuf [dreg:s6], $0x2FFFF;
	_ =	strace $0x9FFFFFFF  }
0xc1: {  	(tm) =	ssettm $0x7FFFFFFF  }
tec
execute0_lowered:
.L_overlay_start_1:
0x0: {  	(tag) =	ssettag $0x1  }
0x1: {  	s7 =	rddreg [dreg:$0x0]  }
0x2: {  	s0 =	rddreg [dreg:$0x1];
	_ =	strace $0x80000047  }
0x3: {  	s1 =	srdreg.scid;
	s4 =	simm.s32 $0x1;
	s9 =	simm.s32 $0x3  }
0x4: {  	s12 =	simm.s32 $0x0;
	s10 =	simm.s32 $0x0;
	s5 =	sshll.u32 s1, $0x4  }
.Ltmp0:
0x5: {  	s1 =	stileid.u32;
	s5 =	sand.u32 $0x10, s5;
	(pc) =	sbr.rel .LBB2_1-.Ltmp0, $4  }
0x6: {  	s2 =	sadd.s32 $0x31A00, s7;
	s3 =	sadd.s32 $0x1600, s7;
	s6 =	sor.u32 s1, s5  }
0x7: {  	[sflag:s4] =	ssyncpa.u1 $0x0;
	s5 =	simm.s32 $0x2;
	s6 =	sshll.u32 s6, $0x7  }
0x8: {  	s7 =	sadd.s32 $0x21A00, s7;
	[sflag:s5] =	ssyncpa.u1 $0x0;
	s8 =	sadd.s32 $0x80, s6  }
0x9: {  	vm0 =	vmmov $0xff;
	vm1 =	vcmask $0x3F20;
	[sflag:s9] =	ssyncpa.u1 $0x0;
	s9 =	simm.s32 $0x80;
	s11 =	smov.u32 s6  }
.LBB2_9:
0xa: {  	p0 =	seq.s32 s10, $0x2  }
.Ltmp1:
0xb: {  	_ = 	snop;
	(pc) =	sbr.rel @p0 .LBB2_11-.Ltmp1, $1  }
0xc: {  	_ =	sdelay $0x3  }
.LBB2_10:
0xd: {  	s12 =	sadd.s32 $0x80, s11  }
0xe: {  	s13 =	smov.u32 s6;
	p0 =	slt.s32 s12, s8  }
0xf: {  	s13 =	smov.u32 @p0 s12  }
0x10: {  	s10 =	sadd.s32 $0x1, s10;
	s12 =	smov.u32 s11;
	s11 =	smov.u32 s13  }
.LBB2_1:
0x11: {  	p0 =	sne.s32 s10, $0x0  }
.Ltmp2:
0x12: {  	_ = 	snop;
	(pc) =	sbr.rel @!p0 .LBB2_2-.Ltmp2, $1  }
0x13: {  	_ =	sdelay $0x3  }
0x14: {  	s13 =	sand.u32 $0x1, s10  }
0x15: {  	p0 =	seq.s32 s13, $0x0  }
.Ltmp3:
0x16: {  	_ = 	snop;
	(pc) =	sbr.rel @p0 .LBB2_9-.Ltmp3, $1  }
0x17: {  	_ =	sdelay $0x3  }
0x18: {  	_ =	swait.ge [sflag:s5], $0x80  }
0x19: {  	[sflag:s5] =	ssyncset.done $0x0  }
0x1a: {  	s13 =	simm.s32 $0x0;
	[sflag:s5] =	ssyncadd.s32 $0xFFFFFF80  }
0x1b: {  	v0 =	vld.msk [tilespmem:s13+$0x80 ss:$0x1], $0xffff;
	_ =	sdelay $0x4  }
0x1c: {  	vm2 =	vgt.s32 v0, $0x0  }
0x1d: {  	v0 =	vnsel vm2, $0x0, v0  }
0x1e: {  	v0 =	vmin.u32 v0, $0xFFF  }
0x1f: {  	v0 =	vshll.u32 v0, $0x4;
	_ =	sdelay $0x3  }
0x20: {  	s13 =	simm.s32 $0x4100  }
0x21: {  	[tilespmem:s13], [sflag:$0x1] =	stream.indirect_vreg.gather [hbm:s2], $0x80, v0, vm0, $0x38;
	[tilespmem:$0x8100] =	vst v63  }
0x22: {  	s14 =	simm.s32 $0x4500;
	s31 =	simm.s32 $0x10  }
0x23: {  	[tilespmem:s14], [sflag:$0x1] =	stream.indirect_vreg.gather [hbm:s2], $0x80, v0, vm1, $0x38;
	[tilespmem:$0x8100] =	vst v63  }
0x24: {  	s14 =	simm.s32 $0x80;
	v0 =	vld.msk [tilespmem:s31+$0x80 ss:$0x1], $0xffff  }
.LBB2_5:
0x25: {  	p0 =	sne.s32 s14, $0x1C0;
	_ =	sdelay $0x4  }
0x26: {  	vm2 =	vgt.s32 v0, $0x0  }
0x27: {  	v0 =	vnsel vm2, $0x0, v0  }
0x28: {  	v0 =	vmin.u32 v0, $0xFFF  }
0x29: {  	v0 =	vshll.u32 v0, $0x4;
	_ =	sdelay $0x3  }
.Ltmp4:
0x2a: {  	s13 =	sadd.s32 $0x800, s13;
	(pc) =	sbr.rel @p0 .LBB2_5-.Ltmp4, $4  }
0x2b: {  	[tilespmem:s13], [sflag:$0x1] =	stream.indirect_vreg.gather [hbm:s2], $0x80, v0, vm0, $0x38;
	[tilespmem:$0x8100] =	vst v63  }
0x2c: {  	s15 =	sshra.s32 s14, $0x2;
	s16 =	sadd.s32 $0x400, s13  }
0x2d: {  	[tilespmem:s16], [sflag:$0x1] =	stream.indirect_vreg.gather [hbm:s2], $0x80, v0, vm1, $0x38;
	[tilespmem:$0x8100] =	vst v63  }
0x2e: {  	s14 =	sadd.s32 $0x40, s14;
	v0 =	vld.msk [tilespmem:s15+$0x80 ss:$0x1], $0xffff  }
0x2f: {  	_ =	sdelay $0x3  }
0x30: {  	vm2 =	vgt.s32 v0, $0x0  }
0x31: {  	v0 =	vnsel vm2, $0x0, v0  }
0x32: {  	v0 =	vmin.u32 v0, $0xFFF  }
0x33: {  	v0 =	vshll.u32 v0, $0x4;
	_ =	sdelay $0x3  }
0x34: {  	s13 =	sadd.s32 $0x800, s13  }
0x35: {  	[tilespmem:s13], [sflag:$0x1] =	stream.indirect_vreg.gather [hbm:s2], $0x80, v0, vm0, $0x38;
	[tilespmem:$0x8100] =	vst v63  }
0x36: {  	s13 =	sadd.s32 $0x400, s13  }
0x37: {  	[tilespmem:s13], [sflag:$0x1] =	stream.indirect_vreg.gather [hbm:s2], $0x80, v0, vm1, $0x38;
	[tilespmem:$0x8100] =	vst v63  }
0x38: {  	s12 =	sshll.u32 s12, $0x4;
	s14 =	simm.s32 $0x80;
	_ =	swait.ge [sflag:s4], $0x4000  }
0x39: {  	s15 =	simm.s32 $0x4500;
	s12 =	sadd.s32 s12, s7;
	[sflag:s4] =	ssyncset.done $0x0  }
0x3a: {  	s16 =	sadd.s32 $0x0, s12;
	s13 =	simm.s32 $0x4100;
	[sflag:s4] =	ssyncadd.s32 $0xFFFFC000  }
.LBB2_7:
0x3b: {  	[hbm:s16] =	stream.linear.scatter [tilespmem:s13], [sflag:$0x3], $0x400, $0x38;
	[tilespmem:$0x8100] =	vst v63  }
0x3c: {  	s16 =	smov.u32 s14;
	s13 =	smov.u32 s15;
	p0 =	sne.s32 s14, $0x780  }
.Ltmp5:
0x3d: {  	s14 =	sadd.s32 $0x80, s14;
	(pc) =	sbr.rel @p0 .LBB2_7-.Ltmp5, $2  }
0x3e: {  	_ =	sdelay $0x2  }
0x3f: {  	s15 =	sadd.s32 $0x400, s15;
	s16 =	sadd.s32 s16, s12  }
.Ltmp6:
0x40: {  	(pc) =	sbr.rel .LBB2_9-.Ltmp6, $2  }
0x41: {  	_ =	sdelay $0x2  }
0x42: {  	[hbm:s16] =	stream.linear.scatter [tilespmem:s13], [sflag:$0x3], $0x400, $0x38;
	[tilespmem:$0x8100] =	vst v63  }
.LBB2_2:
.Ltmp7:
0x43: {  	(pc) =	sbr.rel .LBB2_10-.Ltmp7, $4  }
0x44: {  	_ = 	snop  }
0x45: {  	s12 =	sshrl.u32 s11, $0x3  }
0x46: {  	s13 =	sand.u32 $0x7, s11;
	s12 =	sadd.s32 s3, s12  }
0x47: {  	[tilespmem:s9], [sflag:$0x2] =	stream.linear.gather [hbm4b:s12+s13], $0x80, $0x38;
	[tilespmem:$0x8100] =	vst v63  }
.LBB2_11:
0x48: {  	s2 =	simm.s32 $0x3  }
0x49: {  	_ =	swait.ge [sflag:s2], $0x4000  }
0x4a: {  	[sflag:s2] =	ssyncset.done $0x0  }
0x4b: {  	[sflag:s2] =	ssyncadd.s32 $0xFFFFC000  }
0x4c: {  	_ =	sfence.sel $0x180000  }
0x4d: {  	s3 =	simm.s32 $0x2;
	[bflag:$0x0] =	sbarrier.arrive $0xFFFF  }
0x4e: {  	[sflag:s3] =	ssyncpa.u1 $0x1  }
0x4f: {  	s31 =	simm.s32 $0x1;
	[sflag:s2] =	ssyncpa.u1 $0x1  }
0x50: {  	[sflag:s31] =	ssyncpa.u1 $0x1  }
0x51: {  	p0 =	sne.s32 s1, $0x0;
	_ =	strace $0x90000047  }
0x52: {  	s0 =	sadd.s32 @!p0 $0x100000, s0;
	[bflag:$0x2] =	sbarrier.arrive $0xFFFF  }
0x53: {  	[sflag:s0] =	ssyncadd.tile.s32 @!p0 $0x1;
	_ =	shalt  }
.Lfunc_end2:
_tile_overlayer_lowered:
.L_overlay_start_2:
0x54: {  	(tag) =	ssettag $0x2  }
0x55: {  	s0 =	rddreg [dreg:$0x0];
	s2 =	stileid.u32  }
0x56: {  	s1 =	rddreg [dreg:$0x1];
	p0 =	sne.s32 s2, $0x0  }
0x57: {  	s3 =	rddreg [dreg:$0x2];
	[bflag:$0x3] =	sbarrier.arrive $0xFFFF;
	s2 =	simm.s32 @!p0 $0x1C01  }
0x58: {  	[timem:s3], [sflag:s2] =	dma.local @!p0 [hbm:s0], s1  }
0x59: {  	s0 =	simm.s32 @!p0 $0x1  }
0x5a: {  	_ =	swait.ge @!p0 [sflag:s0], s1  }
0x5b: {  	s1 =	ssub.s32 @!p0 $0x0, s1;
	[sflag:s0] =	ssyncset.done @!p0 $0x0  }
0x5c: {  	[sflag:s0] =	ssyncadd.s32 @!p0 s1  }
0x5d: {  	[bflag:$0x3] =	sbarrier.arrive $0xFFFF  }
0x5e: {  	_ =	shalt  }

</sc_bundles>
